<compile_context>
chip_gen: v7x
topology: tpu7x:2x2x1
jax: 0.10.2.dev20260603
libtpu: 0.0.44.dev20260713+nightly
codegen_flags: <defaults>
</compile_context>

<pallas_src>
import functools

import jax
import jax.numpy as jnp
from jax import lax
from jax.experimental import pallas as pl
from jax.experimental.pallas import tpu as pltpu
from jax.experimental.pallas import tpu_sc as plsc

N = 10000
E = 320000
D = 128
D_COND = 16
B = 8

NC, NS = 2, 16
NW = NC * NS
EPT = E // NW
CHUNK = 200
GRP = 100
GPC = CHUNK // GRP
NCHUNK = EPT // CHUNK
NIDX = EPT // GRP
RPT = 624
TAIL = N - NS * RPT


def _sc_scatter_add(row3d, attr3d, zrows):
    mesh = plsc.VectorSubcoreMesh(core_axis_name="c", subcore_axis_name="s")

    @functools.partial(
        pl.kernel,
        out_type=jax.ShapeDtypeStruct((NC, N, D), jnp.float32),
        mesh=mesh,
        scratch_types=[
            pltpu.VMEM((NIDX, GRP), jnp.int32),
            pltpu.VMEM((CHUNK, D), jnp.float32),
            pltpu.VMEM_SHARED((N, D), jnp.float32),
            pltpu.SemaphoreType.DMA,
        ],
    )
    def scatter_kernel(row_hbm, attr_hbm, z_hbm, out_hbm, idx_v, attr_v,
                       acc_sh, isem):
        cid = lax.axis_index("c")
        sid = lax.axis_index("s")
        wid = cid * NS + sid
        rbase = sid * RPT
        idx_cp = pltpu.async_copy(row_hbm.at[wid], idx_v, isem)
        pltpu.sync_copy(z_hbm.at[pl.ds(0, RPT)], acc_sh.at[pl.ds(rbase, RPT)])

        @pl.when(sid == 0)
        def _zero_tail():
            pltpu.sync_copy(z_hbm.at[pl.ds(0, TAIL)],
                            acc_sh.at[pl.ds(NS * RPT, TAIL)])

        idx_cp.wait()
        plsc.subcore_barrier()

        ebase = wid * EPT

        def body(c, carry):
            pltpu.sync_copy(
                attr_hbm.at[pl.ds(ebase + c * CHUNK, CHUNK)], attr_v)
            for j in range(GPC):
                pltpu.sync_copy(
                    attr_v.at[pl.ds(j * GRP, GRP)],
                    acc_sh.at[idx_v.at[c * GPC + j]],
                    add=True,
                )
            return carry

        lax.fori_loop(0, NCHUNK, body, 0)
        plsc.subcore_barrier()
        pltpu.sync_copy(
            acc_sh.at[pl.ds(rbase, RPT)],
            out_hbm.at[cid, pl.ds(rbase, RPT)],
        )

        @pl.when(sid == 0)
        def _copy_tail():
            pltpu.sync_copy(
                acc_sh.at[pl.ds(NS * RPT, TAIL)],
                out_hbm.at[cid, pl.ds(NS * RPT, TAIL)],
            )

    return scatter_kernel(row3d, attr3d, zrows)


def _tc_mlp(x, parts, batch2d, u, W1, b1, W2, b2):
    R = 1000

    def body(x_ref, p_ref, bt_ref, u_ref, W1_ref, b1_ref, W2_ref,
             b2_ref, o_ref):
        agg = p_ref[0] + p_ref[1]
        oh = (bt_ref[...] == lax.broadcasted_iota(jnp.int32, (1, B), 1)
              ).astype(jnp.float32)
        uw = jnp.dot(u_ref[...], W1_ref[2 * D:2 * D + D_COND, :],
                     preferred_element_type=jnp.float32)
        z = (jnp.dot(x_ref[...], W1_ref[0:D, :],
                     preferred_element_type=jnp.float32)
             + jnp.dot(agg, W1_ref[D:2 * D, :],
                       preferred_element_type=jnp.float32)
             + jnp.dot(oh, uw, preferred_element_type=jnp.float32)
             + b1_ref[...])
        h = jnp.maximum(z, 0.0)
        o_ref[...] = jnp.dot(h, W2_ref[...],
                             preferred_element_type=jnp.float32) + b2_ref[...]

    return pl.pallas_call(
        body,
        grid=(N // R,),
        in_specs=[
            pl.BlockSpec((R, D), lambda i: (i, 0)),
            pl.BlockSpec((NC, R, D), lambda i: (0, i, 0)),
            pl.BlockSpec((R, 1), lambda i: (i, 0)),
            pl.BlockSpec((B, D_COND), lambda i: (0, 0)),
            pl.BlockSpec((2 * D + D_COND, D), lambda i: (0, 0)),
            pl.BlockSpec((1, D), lambda i: (0, 0)),
            pl.BlockSpec((D, D), lambda i: (0, 0)),
            pl.BlockSpec((1, D), lambda i: (0, 0)),
        ],
        out_specs=pl.BlockSpec((R, D), lambda i: (i, 0)),
        out_shape=jax.ShapeDtypeStruct((N, D), jnp.float32),
    )(x, parts, batch2d, u, W1, b1, W2, b2)


def kernel(x, edge_index, edge_attr, u, batch, W1, b1, W2, b2):
    row = edge_index[0].astype(jnp.int32)
    row3d = row.reshape(NW, NIDX, GRP)
    attr3d = edge_attr
    zrows = jnp.zeros((RPT, D), jnp.float32)
    parts = _sc_scatter_add(row3d, attr3d, zrows)
    return _tc_mlp(
        x, parts,
        batch.astype(jnp.int32).reshape(N, 1), u,
        W1, b1.reshape(1, D), W2, b2.reshape(1, D),
    )

# --- scband reference (transcript-rebuilt; emitter-appended) ---
"""Pipeline reference for scband-node-model-32169305047410 (READ-ONLY COPY).

The authoritative reference and input builder live on the scoring server;
editing this copy changes nothing except your own understanding.
"""

import jax, jax.numpy as jnp
import numpy as np

N = 10000
E = 320000
D_NODE = 128
D_EDGE = 128
D_COND = 16
D_HID = 128
D_OUT = 128
B = 8

def setup_inputs(seed: int = 0) -> dict:
    key = jax.random.key(seed)
    ks = jax.random.split(key, 10)
    x = jax.random.normal(ks[0], (N, D_NODE), dtype=jnp.float32)
    edge_index = jax.random.randint(ks[1], (2, E), 0, N, dtype=jnp.int64)
    edge_attr = jax.random.normal(ks[2], (E, D_EDGE), dtype=jnp.float32)
    u = jax.random.normal(ks[3], (B, D_COND), dtype=jnp.float32)
    batch = jnp.sort(jax.random.randint(ks[4], (N,), 0, B, dtype=jnp.int64))
    d_in = D_NODE + D_EDGE + D_COND
    W1 = jax.random.normal(ks[5], (d_in, D_HID), dtype=jnp.float32) * (1.0 / np.sqrt(d_in))
    b1 = jnp.zeros((D_HID,), dtype=jnp.float32)
    W2 = jax.random.normal(ks[6], (D_HID, D_OUT), dtype=jnp.float32) * (1.0 / np.sqrt(D_HID))
    b2 = jnp.zeros((D_OUT,), dtype=jnp.float32)
    return {"x": x, "edge_index": edge_index, "edge_attr": edge_attr, "u": u, "batch": batch, "W1": W1, "b1": b1, "W2": W2, "b2": b2}

def reference(x, edge_index, edge_attr, u, batch, W1, b1, W2, b2):
    row = edge_index[0]
    agg = jnp.zeros_like(x).at[row].add(edge_attr)
    out = jnp.concatenate([x, agg, jnp.take(u, batch, axis=0)], axis=1)
    h = jax.nn.relu(out @ W1 + b1)
    return h @ W2 + b2

if __name__ == "__main__":
    import jax
    _d = setup_inputs()
    print(jax.jit(kernel)(*tuple(_d.values())))

</pallas_src>

<mosaic_0001>
#map = affine_map<(d0, d1) -> (0, 0, 0)>
#map1 = affine_map<(d0, d1) -> (0, 0)>
module attributes {stable_mosaic.version = 14 : i64} {
  func.func @scatter_kernel(%arg0: i32, %arg1: i32, %arg2: memref<32x100x100xi32, #tpu.memory_space<hbm>>, %arg3: memref<320000x128xf32, #tpu.memory_space<hbm>>, %arg4: memref<624x128xf32, #tpu.memory_space<hbm>>, %arg5: memref<2x10000x128xf32, #tpu.memory_space<hbm>>, %arg6: memref<100x100xi32, #tpu.memory_space<vmem>>, %arg7: memref<200x128xf32, #tpu.memory_space<vmem>>, %arg8: memref<10000x128xf32, #tpu.memory_space<vmem_shared>>, %arg9: memref<!tpu.dma_semaphore, #tpu.memory_space<semaphore_mem>>) attributes {dimension_semantics = [#tpu.dimension_semantics<core_parallel>, #tpu.dimension_semantics<subcore_parallel>], iteration_bounds = array<i64: 2, 16>, scalar_prefetch = 0 : i64, scratch_operands = 4 : i64, tpu.core_type = #tpu.core_type<sc_vector_subcore>, window_params = [{transform_indices = #map}, {transform_indices = #map1}, {transform_indices = #map1}, {transform_indices = #map}]} {
    %mul3A = arith.constant 16 : i32
    %mul3A_0 = arith.muli %arg0, %mul3A : i32
    %add3A = arith.addi %mul3A_0, %arg1 : i32
    %mul3A_1 = arith.constant 624 : i32
    %mul3A_2 = arith.muli %arg1, %mul3A_1 : i32
    %dma_start3A = arith.constant 0 : i32
    %dma_start3A_3 = arith.constant 0 : i32
    %dma_start3A_4 = tpu.memref_slice %arg2[%add3A, %dma_start3A, %dma_start3A_3] : memref<32x100x100xi32, #tpu.memory_space<hbm>> -> memref<1x100x100xi32, #tpu.memory_space<hbm>>
    %dma_start3A_5 = tpu.memref_squeeze %dma_start3A_4 : memref<1x100x100xi32, #tpu.memory_space<hbm>> -> memref<100x100xi32, #tpu.memory_space<hbm>>
    %dma_start3A_6 = arith.constant 0 : i32
    %dma_start3A_7 = arith.constant 0 : i32
    %dma_start3A_8 = tpu.memref_slice %arg2[%add3A, %dma_start3A_6, %dma_start3A_7] : memref<32x100x100xi32, #tpu.memory_space<hbm>> -> memref<1x100x100xi32, #tpu.memory_space<hbm>>
    %dma_start3A_9 = tpu.memref_squeeze %dma_start3A_8 : memref<1x100x100xi32, #tpu.memory_space<hbm>> -> memref<100x100xi32, #tpu.memory_space<hbm>>
    tpu.enqueue_dma source(%dma_start3A_9 : memref<100x100xi32, #tpu.memory_space<hbm>>) target(%arg6 : memref<100x100xi32, #tpu.memory_space<vmem>>) target_semaphore(%arg9 : memref<!tpu.dma_semaphore, #tpu.memory_space<semaphore_mem>>)
    "tpu.region"() ({
      %run_scoped3A = tpu.sem_alloc : memref<!tpu.dma_semaphore, #tpu.memory_space<semaphore_mem>>
      %dma_start3A_32 = arith.constant 0 : i32
      %dma_start3A_33 = tpu.memref_slice %arg8[%mul3A_2, %dma_start3A_32] : memref<10000x128xf32, #tpu.memory_space<vmem_shared>> -> memref<624x128xf32, #tpu.memory_space<vmem_shared>>
      %dma_start3A_34 = arith.constant 0 : i32
      %dma_start3A_35 = arith.constant 0 : i32
      %dma_start3A_36 = tpu.memref_slice %arg4[%dma_start3A_34, %dma_start3A_35] : memref<624x128xf32, #tpu.memory_space<hbm>> -> memref<624x128xf32, #tpu.memory_space<hbm>>
      tpu.enqueue_dma source(%dma_start3A_36 : memref<624x128xf32, #tpu.memory_space<hbm>>) target(%dma_start3A_33 : memref<624x128xf32, #tpu.memory_space<vmem_shared>>) target_semaphore(%run_scoped3A : memref<!tpu.dma_semaphore, #tpu.memory_space<semaphore_mem>>)
      %dma_wait3A_37 = arith.constant 0 : i32
      %dma_wait3A_38 = tpu.memref_slice %arg8[%mul3A_2, %dma_wait3A_37] : memref<10000x128xf32, #tpu.memory_space<vmem_shared>> -> memref<624x128xf32, #tpu.memory_space<vmem_shared>>
      %dma_wait3A_39 = arith.constant 0 : i32
      %dma_wait3A_40 = arith.constant 0 : i32
      %dma_wait3A_41 = tpu.memref_slice %arg4[%dma_wait3A_39, %dma_wait3A_40] : memref<624x128xf32, #tpu.memory_space<hbm>> -> memref<624x128xf32, #tpu.memory_space<hbm>>
      tpu.wait_dma2 semaphore(%run_scoped3A : memref<!tpu.dma_semaphore, #tpu.memory_space<semaphore_mem>>) src(%dma_wait3A_41 : memref<624x128xf32, #tpu.memory_space<hbm>>) dst(%dma_wait3A_38 : memref<624x128xf32, #tpu.memory_space<vmem_shared>>)
      tpu.yield
    }) : () -> ()
    %eq3A = arith.constant 0 : i32
    %eq3A_10 = arith.cmpi eq, %arg1, %eq3A : i32
    %convert_element_type3A = arith.extui %eq3A_10 : i1 to i32
    %cond3A = arith.constant 0 : i32
    %cond3A_11 = arith.cmpi ne, %convert_element_type3A, %cond3A : i32
    scf.if %cond3A_11 {
      "tpu.region"() ({
        %run_scoped3A = tpu.sem_alloc : memref<!tpu.dma_semaphore, #tpu.memory_space<semaphore_mem>>
        %dma_start3A_32 = arith.constant 9984 : i32
        %dma_start3A_33 = arith.constant 0 : i32
        %dma_start3A_34 = tpu.memref_slice %arg8[%dma_start3A_32, %dma_start3A_33] : memref<10000x128xf32, #tpu.memory_space<vmem_shared>> -> memref<16x128xf32, #tpu.memory_space<vmem_shared>>
        %dma_start3A_35 = arith.constant 0 : i32
        %dma_start3A_36 = arith.constant 0 : i32
        %dma_start3A_37 = tpu.memref_slice %arg4[%dma_start3A_35, %dma_start3A_36] : memref<624x128xf32, #tpu.memory_space<hbm>> -> memref<16x128xf32, #tpu.memory_space<hbm>>
        tpu.enqueue_dma source(%dma_start3A_37 : memref<16x128xf32, #tpu.memory_space<hbm>>) target(%dma_start3A_34 : memref<16x128xf32, #tpu.memory_space<vmem_shared>>) target_semaphore(%run_scoped3A : memref<!tpu.dma_semaphore, #tpu.memory_space<semaphore_mem>>)
        %dma_wait3A_38 = arith.constant 9984 : i32
        %dma_wait3A_39 = arith.constant 0 : i32
        %dma_wait3A_40 = tpu.memref_slice %arg8[%dma_wait3A_38, %dma_wait3A_39] : memref<10000x128xf32, #tpu.memory_space<vmem_shared>> -> memref<16x128xf32, #tpu.memory_space<vmem_shared>>
        %dma_wait3A_41 = arith.constant 0 : i32
        %dma_wait3A_42 = arith.constant 0 : i32
        %dma_wait3A_43 = tpu.memref_slice %arg4[%dma_wait3A_41, %dma_wait3A_42] : memref<624x128xf32, #tpu.memory_space<hbm>> -> memref<16x128xf32, #tpu.memory_space<hbm>>
        tpu.wait_dma2 semaphore(%run_scoped3A : memref<!tpu.dma_semaphore, #tpu.memory_space<semaphore_mem>>) src(%dma_wait3A_43 : memref<16x128xf32, #tpu.memory_space<hbm>>) dst(%dma_wait3A_40 : memref<16x128xf32, #tpu.memory_space<vmem_shared>>)
        tpu.yield
      }) : () -> ()
    } else {
    }
    %dma_wait3A = arith.constant 0 : i32
    %dma_wait3A_12 = arith.constant 0 : i32
    %dma_wait3A_13 = tpu.memref_slice %arg2[%add3A, %dma_wait3A, %dma_wait3A_12] : memref<32x100x100xi32, #tpu.memory_space<hbm>> -> memref<1x100x100xi32, #tpu.memory_space<hbm>>
    %dma_wait3A_14 = tpu.memref_squeeze %dma_wait3A_13 : memref<1x100x100xi32, #tpu.memory_space<hbm>> -> memref<100x100xi32, #tpu.memory_space<hbm>>
    %dma_wait3A_15 = arith.constant 0 : i32
    %dma_wait3A_16 = arith.constant 0 : i32
    %dma_wait3A_17 = tpu.memref_slice %arg2[%add3A, %dma_wait3A_15, %dma_wait3A_16] : memref<32x100x100xi32, #tpu.memory_space<hbm>> -> memref<1x100x100xi32, #tpu.memory_space<hbm>>
    %dma_wait3A_18 = tpu.memref_squeeze %dma_wait3A_17 : memref<1x100x100xi32, #tpu.memory_space<hbm>> -> memref<100x100xi32, #tpu.memory_space<hbm>>
    tpu.wait_dma2 semaphore(%arg9 : memref<!tpu.dma_semaphore, #tpu.memory_space<semaphore_mem>>) src(%dma_wait3A_18 : memref<100x100xi32, #tpu.memory_space<hbm>>) dst(%arg6 : memref<100x100xi32, #tpu.memory_space<vmem>>)
    %barrier3A = arith.constant 0 : index
    tpu.barrier barrier_id(%barrier3A)
    %mul3A_19 = arith.constant 10000 : i32
    %mul3A_20 = arith.muli %add3A, %mul3A_19 : i32
    %scan3A = arith.constant 0 : i32
    %scan3A_21 = arith.constant 0 : i32
    %scan3A_22 = arith.constant 50 : i32
    %scan3A_23 = arith.addi %scan3A_21, %scan3A_22 : i32
    %scan3A_24 = arith.constant 1 : i32
    scf.for %scan3A_32 = %scan3A_21 to %scan3A_23 step %scan3A_24  : i32 {
      %mul3A_33 = arith.constant 200 : i32
      %mul3A_34 = arith.muli %scan3A_32, %mul3A_33 : i32
      %add3A_35 = arith.addi %mul3A_20, %mul3A_34 : i32
      "tpu.region"() ({
        %run_scoped3A = tpu.sem_alloc : memref<!tpu.dma_semaphore, #tpu.memory_space<semaphore_mem>>
        %dma_start3A_44 = arith.constant 0 : i32
        %dma_start3A_45 = tpu.memref_slice %arg3[%add3A_35, %dma_start3A_44] : memref<320000x128xf32, #tpu.memory_space<hbm>> -> memref<200x128xf32, #tpu.memory_space<hbm>>
        %dma_start3A_46 = arith.constant 0 : i32
        %dma_start3A_47 = tpu.memref_slice %arg3[%add3A_35, %dma_start3A_46] : memref<320000x128xf32, #tpu.memory_space<hbm>> -> memref<200x128xf32, #tpu.memory_space<hbm>>
        tpu.enqueue_dma source(%dma_start3A_47 : memref<200x128xf32, #tpu.memory_space<hbm>>) target(%arg7 : memref<200x128xf32, #tpu.memory_space<vmem>>) target_semaphore(%run_scoped3A : memref<!tpu.dma_semaphore, #tpu.memory_space<semaphore_mem>>)
        %dma_wait3A_48 = arith.constant 0 : i32
        %dma_wait3A_49 = tpu.memref_slice %arg3[%add3A_35, %dma_wait3A_48] : memref<320000x128xf32, #tpu.memory_space<hbm>> -> memref<200x128xf32, #tpu.memory_space<hbm>>
        %dma_wait3A_50 = arith.constant 0 : i32
        %dma_wait3A_51 = tpu.memref_slice %arg3[%add3A_35, %dma_wait3A_50] : memref<320000x128xf32, #tpu.memory_space<hbm>> -> memref<200x128xf32, #tpu.memory_space<hbm>>
        tpu.wait_dma2 semaphore(%run_scoped3A : memref<!tpu.dma_semaphore, #tpu.memory_space<semaphore_mem>>) src(%dma_wait3A_51 : memref<200x128xf32, #tpu.memory_space<hbm>>) dst(%arg7 : memref<200x128xf32, #tpu.memory_space<vmem>>)
        tpu.yield
      }) : () -> ()
      %mul3A_36 = arith.constant 2 : i32
      %mul3A_37 = arith.muli %scan3A_32, %mul3A_36 : i32
      %add3A_38 = arith.constant 0 : i32
      %add3A_39 = arith.addi %mul3A_37, %add3A_38 : i32
      "tpu.region"() ({
        %run_scoped3A = tpu.sem_alloc : memref<!tpu.dma_semaphore, #tpu.memory_space<semaphore_mem>>
        %dma_start3A_44 = arith.constant 0 : i32
        %dma_start3A_45 = arith.constant 0 : i32
        %dma_start3A_46 = tpu.memref_slice %arg7[%dma_start3A_44, %dma_start3A_45] : memref<200x128xf32, #tpu.memory_space<vmem>> -> memref<100x128xf32, #tpu.memory_space<vmem>>
        %dma_start3A_47 = arith.constant 0 : i32
        %dma_start3A_48 = tpu.memref_slice %arg6[%add3A_39, %dma_start3A_47] : memref<100x100xi32, #tpu.memory_space<vmem>> -> memref<1x100xi32, #tpu.memory_space<vmem>>
        %dma_start3A_49 = tpu.memref_squeeze %dma_start3A_48 : memref<1x100xi32, #tpu.memory_space<vmem>> -> memref<100xi32, #tpu.memory_space<vmem>>
        %dma_start3A_50 = arith.constant 0 : i32
        %dma_start3A_51 = arith.constant 0 : i32
        %dma_start3A_52 = tpu.memref_slice %arg8[%dma_start3A_50, %dma_start3A_51] : memref<10000x128xf32, #tpu.memory_space<vmem_shared>> -> memref<10000x128xf32, #tpu.memory_space<vmem_shared>>
        tpu.enqueue_indirect_dma source(%dma_start3A_46 : memref<100x128xf32, #tpu.memory_space<vmem>>) target(%dma_start3A_52 : memref<10000x128xf32, #tpu.memory_space<vmem_shared>>) offsets(%dma_start3A_49 : memref<100xi32, #tpu.memory_space<vmem>>) semaphore(%run_scoped3A : memref<!tpu.dma_semaphore, #tpu.memory_space<semaphore_mem>>) {add = true}
        %dma_wait3A_53 = arith.constant 0 : i32
        %dma_wait3A_54 = arith.constant 0 : i32
        %dma_wait3A_55 = tpu.memref_slice %arg7[%dma_wait3A_53, %dma_wait3A_54] : memref<200x128xf32, #tpu.memory_space<vmem>> -> memref<100x128xf32, #tpu.memory_space<vmem>>
        %dma_wait3A_56 = arith.constant 0 : i32
        %dma_wait3A_57 = tpu.memref_slice %arg6[%add3A_39, %dma_wait3A_56] : memref<100x100xi32, #tpu.memory_space<vmem>> -> memref<1x100xi32, #tpu.memory_space<vmem>>
        %dma_wait3A_58 = tpu.memref_squeeze %dma_wait3A_57 : memref<1x100xi32, #tpu.memory_space<vmem>> -> memref<100xi32, #tpu.memory_space<vmem>>
        %dma_wait3A_59 = arith.constant 0 : i32
        %dma_wait3A_60 = arith.constant 0 : i32
        %dma_wait3A_61 = tpu.memref_slice %arg8[%dma_wait3A_59, %dma_wait3A_60] : memref<10000x128xf32, #tpu.memory_space<vmem_shared>> -> memref<10000x128xf32, #tpu.memory_space<vmem_shared>>
        tpu.wait_indirect_dma semaphore(%run_scoped3A : memref<!tpu.dma_semaphore, #tpu.memory_space<semaphore_mem>>) src(%dma_wait3A_55 : memref<100x128xf32, #tpu.memory_space<vmem>>) dst(%dma_wait3A_61 : memref<10000x128xf32, #tpu.memory_space<vmem_shared>>)
        tpu.yield
      }) : () -> ()
      %mul3A_40 = arith.constant 2 : i32
      %mul3A_41 = arith.muli %scan3A_32, %mul3A_40 : i32
      %add3A_42 = arith.constant 1 : i32
      %add3A_43 = arith.addi %mul3A_41, %add3A_42 : i32
      "tpu.region"() ({
        %run_scoped3A = tpu.sem_alloc : memref<!tpu.dma_semaphore, #tpu.memory_space<semaphore_mem>>
        %dma_start3A_44 = arith.constant 100 : i32
        %dma_start3A_45 = arith.constant 0 : i32
        %dma_start3A_46 = tpu.memref_slice %arg7[%dma_start3A_44, %dma_start3A_45] : memref<200x128xf32, #tpu.memory_space<vmem>> -> memref<100x128xf32, #tpu.memory_space<vmem>>
        %dma_start3A_47 = arith.constant 0 : i32
        %dma_start3A_48 = tpu.memref_slice %arg6[%add3A_43, %dma_start3A_47] : memref<100x100xi32, #tpu.memory_space<vmem>> -> memref<1x100xi32, #tpu.memory_space<vmem>>
        %dma_start3A_49 = tpu.memref_squeeze %dma_start3A_48 : memref<1x100xi32, #tpu.memory_space<vmem>> -> memref<100xi32, #tpu.memory_space<vmem>>
        %dma_start3A_50 = arith.constant 0 : i32
        %dma_start3A_51 = arith.constant 0 : i32
        %dma_start3A_52 = tpu.memref_slice %arg8[%dma_start3A_50, %dma_start3A_51] : memref<10000x128xf32, #tpu.memory_space<vmem_shared>> -> memref<10000x128xf32, #tpu.memory_space<vmem_shared>>
        tpu.enqueue_indirect_dma source(%dma_start3A_46 : memref<100x128xf32, #tpu.memory_space<vmem>>) target(%dma_start3A_52 : memref<10000x128xf32, #tpu.memory_space<vmem_shared>>) offsets(%dma_start3A_49 : memref<100xi32, #tpu.memory_space<vmem>>) semaphore(%run_scoped3A : memref<!tpu.dma_semaphore, #tpu.memory_space<semaphore_mem>>) {add = true}
        %dma_wait3A_53 = arith.constant 100 : i32
        %dma_wait3A_54 = arith.constant 0 : i32
        %dma_wait3A_55 = tpu.memref_slice %arg7[%dma_wait3A_53, %dma_wait3A_54] : memref<200x128xf32, #tpu.memory_space<vmem>> -> memref<100x128xf32, #tpu.memory_space<vmem>>
        %dma_wait3A_56 = arith.constant 0 : i32
        %dma_wait3A_57 = tpu.memref_slice %arg6[%add3A_43, %dma_wait3A_56] : memref<100x100xi32, #tpu.memory_space<vmem>> -> memref<1x100xi32, #tpu.memory_space<vmem>>
        %dma_wait3A_58 = tpu.memref_squeeze %dma_wait3A_57 : memref<1x100xi32, #tpu.memory_space<vmem>> -> memref<100xi32, #tpu.memory_space<vmem>>
        %dma_wait3A_59 = arith.constant 0 : i32
        %dma_wait3A_60 = arith.constant 0 : i32
        %dma_wait3A_61 = tpu.memref_slice %arg8[%dma_wait3A_59, %dma_wait3A_60] : memref<10000x128xf32, #tpu.memory_space<vmem_shared>> -> memref<10000x128xf32, #tpu.memory_space<vmem_shared>>
        tpu.wait_indirect_dma semaphore(%run_scoped3A : memref<!tpu.dma_semaphore, #tpu.memory_space<semaphore_mem>>) src(%dma_wait3A_55 : memref<100x128xf32, #tpu.memory_space<vmem>>) dst(%dma_wait3A_61 : memref<10000x128xf32, #tpu.memory_space<vmem_shared>>)
        tpu.yield
      }) : () -> ()
    }
    %scan3A_25 = arith.constant 50 : i32
    %barrier3A_26 = arith.constant 0 : index
    tpu.barrier barrier_id(%barrier3A_26)
    "tpu.region"() ({
      %run_scoped3A = tpu.sem_alloc : memref<!tpu.dma_semaphore, #tpu.memory_space<semaphore_mem>>
      %dma_start3A_32 = arith.constant 0 : i32
      %dma_start3A_33 = tpu.memref_slice %arg5[%arg0, %mul3A_2, %dma_start3A_32] : memref<2x10000x128xf32, #tpu.memory_space<hbm>> -> memref<1x624x128xf32, #tpu.memory_space<hbm>>
      %dma_start3A_34 = tpu.memref_squeeze %dma_start3A_33 : memref<1x624x128xf32, #tpu.memory_space<hbm>> -> memref<624x128xf32, #tpu.memory_space<hbm>>
      %dma_start3A_35 = arith.constant 0 : i32
      %dma_start3A_36 = tpu.memref_slice %arg8[%mul3A_2, %dma_start3A_35] : memref<10000x128xf32, #tpu.memory_space<vmem_shared>> -> memref<624x128xf32, #tpu.memory_space<vmem_shared>>
      tpu.enqueue_dma source(%dma_start3A_36 : memref<624x128xf32, #tpu.memory_space<vmem_shared>>) target(%dma_start3A_34 : memref<624x128xf32, #tpu.memory_space<hbm>>) target_semaphore(%run_scoped3A : memref<!tpu.dma_semaphore, #tpu.memory_space<semaphore_mem>>)
      %dma_wait3A_37 = arith.constant 0 : i32
      %dma_wait3A_38 = tpu.memref_slice %arg5[%arg0, %mul3A_2, %dma_wait3A_37] : memref<2x10000x128xf32, #tpu.memory_space<hbm>> -> memref<1x624x128xf32, #tpu.memory_space<hbm>>
      %dma_wait3A_39 = tpu.memref_squeeze %dma_wait3A_38 : memref<1x624x128xf32, #tpu.memory_space<hbm>> -> memref<624x128xf32, #tpu.memory_space<hbm>>
      %dma_wait3A_40 = arith.constant 0 : i32
      %dma_wait3A_41 = tpu.memref_slice %arg8[%mul3A_2, %dma_wait3A_40] : memref<10000x128xf32, #tpu.memory_space<vmem_shared>> -> memref<624x128xf32, #tpu.memory_space<vmem_shared>>
      tpu.wait_dma2 semaphore(%run_scoped3A : memref<!tpu.dma_semaphore, #tpu.memory_space<semaphore_mem>>) src(%dma_wait3A_41 : memref<624x128xf32, #tpu.memory_space<vmem_shared>>) dst(%dma_wait3A_39 : memref<624x128xf32, #tpu.memory_space<hbm>>)
      tpu.yield
    }) : () -> ()
    %eq3A_27 = arith.constant 0 : i32
    %eq3A_28 = arith.cmpi eq, %arg1, %eq3A_27 : i32
    %convert_element_type3A_29 = arith.extui %eq3A_28 : i1 to i32
    %cond3A_30 = arith.constant 0 : i32
    %cond3A_31 = arith.cmpi ne, %convert_element_type3A_29, %cond3A_30 : i32
    scf.if %cond3A_31 {
      "tpu.region"() ({
        %run_scoped3A = tpu.sem_alloc : memref<!tpu.dma_semaphore, #tpu.memory_space<semaphore_mem>>
        %dma_start3A_32 = arith.constant 9984 : i32
        %dma_start3A_33 = arith.constant 0 : i32
        %dma_start3A_34 = tpu.memref_slice %arg5[%arg0, %dma_start3A_32, %dma_start3A_33] : memref<2x10000x128xf32, #tpu.memory_space<hbm>> -> memref<1x16x128xf32, #tpu.memory_space<hbm>>
        %dma_start3A_35 = tpu.memref_squeeze %dma_start3A_34 : memref<1x16x128xf32, #tpu.memory_space<hbm>> -> memref<16x128xf32, #tpu.memory_space<hbm>>
        %dma_start3A_36 = arith.constant 9984 : i32
        %dma_start3A_37 = arith.constant 0 : i32
        %dma_start3A_38 = tpu.memref_slice %arg8[%dma_start3A_36, %dma_start3A_37] : memref<10000x128xf32, #tpu.memory_space<vmem_shared>> -> memref<16x128xf32, #tpu.memory_space<vmem_shared>>
        tpu.enqueue_dma source(%dma_start3A_38 : memref<16x128xf32, #tpu.memory_space<vmem_shared>>) target(%dma_start3A_35 : memref<16x128xf32, #tpu.memory_space<hbm>>) target_semaphore(%run_scoped3A : memref<!tpu.dma_semaphore, #tpu.memory_space<semaphore_mem>>)
        %dma_wait3A_39 = arith.constant 9984 : i32
        %dma_wait3A_40 = arith.constant 0 : i32
        %dma_wait3A_41 = tpu.memref_slice %arg5[%arg0, %dma_wait3A_39, %dma_wait3A_40] : memref<2x10000x128xf32, #tpu.memory_space<hbm>> -> memref<1x16x128xf32, #tpu.memory_space<hbm>>
        %dma_wait3A_42 = tpu.memref_squeeze %dma_wait3A_41 : memref<1x16x128xf32, #tpu.memory_space<hbm>> -> memref<16x128xf32, #tpu.memory_space<hbm>>
        %dma_wait3A_43 = arith.constant 9984 : i32
        %dma_wait3A_44 = arith.constant 0 : i32
        %dma_wait3A_45 = tpu.memref_slice %arg8[%dma_wait3A_43, %dma_wait3A_44] : memref<10000x128xf32, #tpu.memory_space<vmem_shared>> -> memref<16x128xf32, #tpu.memory_space<vmem_shared>>
        tpu.wait_dma2 semaphore(%run_scoped3A : memref<!tpu.dma_semaphore, #tpu.memory_space<semaphore_mem>>) src(%dma_wait3A_45 : memref<16x128xf32, #tpu.memory_space<vmem_shared>>) dst(%dma_wait3A_42 : memref<16x128xf32, #tpu.memory_space<hbm>>)
        tpu.yield
      }) : () -> ()
    } else {
    }
    return
  }
}

module attributes {stable_mosaic.version = 14 : i64} {
  func.func @body(%arg0: i32, %arg1: memref<1000x128xf32, #tpu.memory_space<vmem>>, %arg2: memref<2x1000x128xf32, #tpu.memory_space<vmem>>, %arg3: memref<1000x1xi32, #tpu.memory_space<vmem>>, %arg4: memref<8x16xf32, #tpu.memory_space<vmem>>, %arg5: memref<272x128xf32, #tpu.memory_space<vmem>>, %arg6: memref<1x128xf32, #tpu.memory_space<vmem>>, %arg7: memref<128x128xf32, #tpu.memory_space<vmem>>, %arg8: memref<1x128xf32, #tpu.memory_space<vmem>>, %arg9: memref<1000x128xf32, #tpu.memory_space<vmem>>) attributes {dimension_semantics = [#tpu.dimension_semantics<arbitrary>], iteration_bounds = array<i64: 10>, scalar_prefetch = 0 : i64, scratch_operands = 0 : i64, tpu.core_type = #tpu.core_type<tc>, window_params = [{transform_indices = @transform_0, window_bounds = array<i64: 1000, 128>}, {transform_indices = @transform_1, window_bounds = array<i64: 2, 1000, 128>}, {transform_indices = @transform_2, window_bounds = array<i64: 1000, 1>}, {pipeline_mode = #tpu.pipeline_mode<synchronous>, transform_indices = @transform_3, window_bounds = array<i64: 8, 16>}, {pipeline_mode = #tpu.pipeline_mode<synchronous>, transform_indices = @transform_4, window_bounds = array<i64: 272, 128>}, {pipeline_mode = #tpu.pipeline_mode<synchronous>, transform_indices = @transform_5, window_bounds = array<i64: 1, 128>}, {pipeline_mode = #tpu.pipeline_mode<synchronous>, transform_indices = @transform_6, window_bounds = array<i64: 128, 128>}, {pipeline_mode = #tpu.pipeline_mode<synchronous>, transform_indices = @transform_7, window_bounds = array<i64: 1, 128>}, {transform_indices = @transform_8, window_bounds = array<i64: 1000, 128>}]} {
    %get3A = arith.constant 0 : index
    %get3A_0 = arith.constant 0 : index
    %get3A_1 = arith.constant 0 : index
    %get3A_2 = vector.load %arg2[%get3A, %get3A_0, %get3A_1] : memref<2x1000x128xf32, #tpu.memory_space<vmem>>, vector<1x1000x128xf32>
    %get3A_3 = vector.shape_cast %get3A_2 : vector<1x1000x128xf32> to vector<1000x128xf32>
    %get3A_4 = arith.constant 1 : index
    %get3A_5 = arith.constant 0 : index
    %get3A_6 = arith.constant 0 : index
    %get3A_7 = vector.load %arg2[%get3A_4, %get3A_5, %get3A_6] : memref<2x1000x128xf32, #tpu.memory_space<vmem>>, vector<1x1000x128xf32>
    %get3A_8 = vector.shape_cast %get3A_7 : vector<1x1000x128xf32> to vector<1000x128xf32>
    %add3A = arith.addf %get3A_3, %get3A_8 : vector<1000x128xf32>
    %get3A_9 = arith.constant 0 : index
    %get3A_10 = arith.constant 0 : index
    %get3A_11 = vector.load %arg3[%get3A_9, %get3A_10] : memref<1000x1xi32, #tpu.memory_space<vmem>>, vector<1000x1xi32>
    %iota3A = tpu.iota {dimensions = array<i32: 1>} : vector<1x8xi32>
    %eq3A = vector.broadcast %get3A_11 : vector<1000x1xi32> to vector<1000x8xi32>
    %eq3A_12 = vector.broadcast %iota3A : vector<1x8xi32> to vector<1000x8xi32>
    %eq3A_13 = arith.cmpi eq, %eq3A, %eq3A_12 : vector<1000x8xi32>
    %convert_element_type3A = arith.extui %eq3A_13 : vector<1000x8xi1> to vector<1000x8xi32>
    %convert_element_type3A_14 = arith.sitofp %convert_element_type3A : vector<1000x8xi32> to vector<1000x8xf32>
    %get3A_15 = arith.constant 0 : index
    %get3A_16 = arith.constant 0 : index
    %get3A_17 = vector.load %arg4[%get3A_15, %get3A_16] : memref<8x16xf32, #tpu.memory_space<vmem>>, vector<8x16xf32>
    %get3A_18 = arith.constant 256 : index
    %get3A_19 = arith.constant 0 : index
    %get3A_20 = vector.load %arg5[%get3A_18, %get3A_19] : memref<272x128xf32, #tpu.memory_space<vmem>>, vector<16x128xf32>
    %dot_general3A = arith.constant dense<0.000000e+00> : vector<8x128xf32>
    %dot_general3A_21 = tpu.matmul %get3A_17, %get3A_20, %dot_general3A {dimension_numbers = #tpu.dot_dimension_numbers<[1], [0], [0], [1], [0, 0, 1, 1], [], []>, transpose_lhs_hint = false} : vector<8x16xf32>, vector<16x128xf32>, vector<8x128xf32> -> vector<8x128xf32>
    %get3A_22 = arith.constant 0 : index
    %get3A_23 = arith.constant 0 : index
    %get3A_24 = vector.load %arg1[%get3A_22, %get3A_23] : memref<1000x128xf32, #tpu.memory_space<vmem>>, vector<1000x128xf32>
    %get3A_25 = arith.constant 0 : index
    %get3A_26 = arith.constant 0 : index
    %get3A_27 = vector.load %arg5[%get3A_25, %get3A_26] : memref<272x128xf32, #tpu.memory_space<vmem>>, vector<128x128xf32>
    %dot_general3A_28 = arith.constant dense<0.000000e+00> : vector<1000x128xf32>
    %dot_general3A_29 = tpu.matmul %get3A_24, %get3A_27, %dot_general3A_28 {dimension_numbers = #tpu.dot_dimension_numbers<[1], [0], [0], [1], [0, 0, 1, 1], [], []>, transpose_lhs_hint = false} : vector<1000x128xf32>, vector<128x128xf32>, vector<1000x128xf32> -> vector<1000x128xf32>
    %get3A_30 = arith.constant 128 : index
    %get3A_31 = arith.constant 0 : index
    %get3A_32 = vector.load %arg5[%get3A_30, %get3A_31] : memref<272x128xf32, #tpu.memory_space<vmem>>, vector<128x128xf32>
    %dot_general3A_33 = arith.constant dense<0.000000e+00> : vector<1000x128xf32>
    %dot_general3A_34 = tpu.matmul %add3A, %get3A_32, %dot_general3A_33 {dimension_numbers = #tpu.dot_dimension_numbers<[1], [0], [0], [1], [0, 0, 1, 1], [], []>, transpose_lhs_hint = false} : vector<1000x128xf32>, vector<128x128xf32>, vector<1000x128xf32> -> vector<1000x128xf32>
    %add3A_35 = arith.addf %dot_general3A_29, %dot_general3A_34 : vector<1000x128xf32>
    %dot_general3A_36 = arith.constant dense<0.000000e+00> : vector<1000x128xf32>
    %dot_general3A_37 = tpu.matmul %convert_element_type3A_14, %dot_general3A_21, %dot_general3A_36 {dimension_numbers = #tpu.dot_dimension_numbers<[1], [0], [0], [1], [0, 0, 1, 1], [], []>, transpose_lhs_hint = false} : vector<1000x8xf32>, vector<8x128xf32>, vector<1000x128xf32> -> vector<1000x128xf32>
    %add3A_38 = arith.addf %add3A_35, %dot_general3A_37 : vector<1000x128xf32>
    %get3A_39 = arith.constant 0 : index
    %get3A_40 = arith.constant 0 : index
    %get3A_41 = vector.load %arg6[%get3A_39, %get3A_40] : memref<1x128xf32, #tpu.memory_space<vmem>>, vector<1x128xf32>
    %add3A_42 = vector.broadcast %get3A_41 : vector<1x128xf32> to vector<1000x128xf32>
    %add3A_43 = arith.addf %add3A_38, %add3A_42 : vector<1000x128xf32>
    %max3A = arith.constant 0.000000e+00 : f32
    %max3A_44 = vector.broadcast %max3A : f32 to vector<1000x128xf32>
    %max3A_45 = arith.maximumf %add3A_43, %max3A_44 : vector<1000x128xf32>
    %get3A_46 = arith.constant 0 : index
    %get3A_47 = arith.constant 0 : index
    %get3A_48 = vector.load %arg7[%get3A_46, %get3A_47] : memref<128x128xf32, #tpu.memory_space<vmem>>, vector<128x128xf32>
    %dot_general3A_49 = arith.constant dense<0.000000e+00> : vector<1000x128xf32>
    %dot_general3A_50 = tpu.matmul %max3A_45, %get3A_48, %dot_general3A_49 {dimension_numbers = #tpu.dot_dimension_numbers<[1], [0], [0], [1], [0, 0, 1, 1], [], []>, transpose_lhs_hint = false} : vector<1000x128xf32>, vector<128x128xf32>, vector<1000x128xf32> -> vector<1000x128xf32>
    %get3A_51 = arith.constant 0 : index
    %get3A_52 = arith.constant 0 : index
    %get3A_53 = vector.load %arg8[%get3A_51, %get3A_52] : memref<1x128xf32, #tpu.memory_space<vmem>>, vector<1x128xf32>
    %add3A_54 = vector.broadcast %get3A_53 : vector<1x128xf32> to vector<1000x128xf32>
    %add3A_55 = arith.addf %dot_general3A_50, %add3A_54 : vector<1000x128xf32>
    %swap3A = arith.constant 0 : index
    %swap3A_56 = arith.constant 0 : index
    %swap3A_57 = vector.load %arg9[%swap3A, %swap3A_56] : memref<1000x128xf32, #tpu.memory_space<vmem>>, vector<1000x128xf32>
    tpu.vector_store %arg9[%swap3A, %swap3A_56], %add3A_55 {strides = array<i32>} : memref<1000x128xf32, #tpu.memory_space<vmem>>, vector<1000x128xf32>,
    return
  }
  func.func @transform_0(%arg0: i32) -> (i32, i32) {
    %c0_i32 = arith.constant 0 : i32
    %c0_i32_0 = arith.constant 0 : i32
    return %arg0, %c0_i32 : i32, i32
  }
  func.func @transform_1(%arg0: i32) -> (i32, i32, i32) {
    %c0_i32 = arith.constant 0 : i32
    %c0_i32_0 = arith.constant 0 : i32
    %c0_i32_1 = arith.constant 0 : i32
    return %c0_i32, %arg0, %c0_i32_0 : i32, i32, i32
  }
  func.func @transform_2(%arg0: i32) -> (i32, i32) {
    %c0_i32 = arith.constant 0 : i32
    %c0_i32_0 = arith.constant 0 : i32
    return %arg0, %c0_i32 : i32, i32
  }
  func.func @transform_3(%arg0: i32) -> (i32, i32) {
    %c0_i32 = arith.constant 0 : i32
    %c0_i32_0 = arith.constant 0 : i32
    %c0_i32_1 = arith.constant 0 : i32
    return %c0_i32, %c0_i32_0 : i32, i32
  }
  func.func @transform_4(%arg0: i32) -> (i32, i32) {
    %c0_i32 = arith.constant 0 : i32
    %c0_i32_0 = arith.constant 0 : i32
    %c0_i32_1 = arith.constant 0 : i32
    return %c0_i32, %c0_i32_0 : i32, i32
  }
  func.func @transform_5(%arg0: i32) -> (i32, i32) {
    %c0_i32 = arith.constant 0 : i32
    %c0_i32_0 = arith.constant 0 : i32
    %c0_i32_1 = arith.constant 0 : i32
    return %c0_i32, %c0_i32_0 : i32, i32
  }
  func.func @transform_6(%arg0: i32) -> (i32, i32) {
    %c0_i32 = arith.constant 0 : i32
    %c0_i32_0 = arith.constant 0 : i32
    %c0_i32_1 = arith.constant 0 : i32
    return %c0_i32, %c0_i32_0 : i32, i32
  }
  func.func @transform_7(%arg0: i32) -> (i32, i32) {
    %c0_i32 = arith.constant 0 : i32
    %c0_i32_0 = arith.constant 0 : i32
    %c0_i32_1 = arith.constant 0 : i32
    return %c0_i32, %c0_i32_0 : i32, i32
  }
  func.func @transform_8(%arg0: i32) -> (i32, i32) {
    %c0_i32 = arith.constant 0 : i32
    %c0_i32_0 = arith.constant 0 : i32
    return %arg0, %c0_i32 : i32, i32
  }
}

</mosaic_0001>

<sc_bundles>
// kernel: kernel.4.cloned.1.call-start
scs
__scs_entry_jumppad:
0x0: {  	(pc) =	sbr.rel $0x88, $3  }
0x1: {  	(tag) =	ssettag $0x0;
	lr =	simm.s32 $0x1  }
0x2: {  	[smem:$0x3F98] =	sst lr;
	_ =	strace $0xD0000000  }
0x3: {  	_ = 	snop  }
0x4: {  	_ = 	snop  }
0x5: {  	_ = 	snop  }
0x6: {  	_ = 	snop  }
0x7: {  	_ = 	snop  }
__scs_overlays_trampoline_lowered:
0x8: {  	[smem:$0x3FA7] =	sst s0  }
0x9: {  	[smem:$0x3FA8] =	sst s1  }
0xa: {  	[smem:$0x3FA9] =	sst s2  }
0xb: {  	[smem:$0x3FAA] =	sst s3  }
0xc: {  	[smem:$0x3FAB] =	sst s4  }
0xd: {  	[smem:$0x3FAC] =	sst s5  }
0xe: {  	[smem:$0x3FAD] =	sst s6  }
0xf: {  	[smem:$0x3FAE] =	sst s7  }
0x10: {  	[smem:$0x3FAF] =	sst s8  }
0x11: {  	[smem:$0x3FB0] =	sst s9;
	s0 =	simm.s32 @!p0 $0x0  }
0x12: {  	s1 =	sld [smem:$0x3F96];
	s0 =	simm.s32 @p0 $0x1  }
0x13: {  	[smem:$0x3FB1] =	sst s0;
	s0 =	simm.s32 @!p1 $0x0  }
0x14: {  	s2 =	sld [smem:$0x3F95];
	s0 =	simm.s32 @p1 $0x1  }
0x15: {  	[smem:$0x3FB2] =	sst s0;
	s0 =	simm.s32 @!p2 $0x0  }
0x16: {  	s3 =	sld [smem:$0x3FDB];
	s0 =	simm.s32 @p2 $0x1  }
0x17: {  	s4 =	simm.s32 $0x1BF5;
	[smem:$0x3FB4] =	sst s0  }
0x18: {  	s0 =	sld [smem:$0x3F97];
	_ =	swait.ge [sflag:s4], $0x0  }
0x19: {  	s7 =	sld [smem:$0x3F98]  }
0x1a: {  	s8 =	sadd.s32 $0xFFFFE003, lr  }
0x1b: {  	s9 =	sadd.s32 $0xFFFFFEF7, lr;
	s5 =	simm.s32 $0xFFFFFFFF;
	p2 =	slt.u32 s8, $0xFFFFF086  }
0x1c: {  	p1 =	slt.u32 s9, $0xF7A;
	s5 =	simm.s32 @!p2 $0x0  }
0x1d: {  	s5 =	simm.s32 @p1 $0x1;
	p0 =	seq.s32 s7, s2  }
0x1e: {  	s7 =	smul.u32 @!p0 $0xF7A, s2;
	p2 =	seq.s32 @!p0 s5, $0x0  }
0x1f: {  	s9 =	smul.u32 $0xF7A, s1;
	s8 =	simm.s32 @!p0 $0x1BF5;
	p2 =	por !p2, p0  }
0x20: {  	[sflag:s8] =	ssyncset.s32 @!p0 $0xFFFFF086;
	s6 =	sadd.s32 @!p0 s3, s7;
	s7 =	simm.s32 @!p0 $0x108  }
0x21: {  	s3 =	sadd.s32 s3, s9;
	s6 =	sadd.s32 @!p0 $0x88, s6;
	s7 =	simm.s32 @p2 $0x1082  }
0x22: {  	[simem:s7], [sflag:s8] =	dma.local @!p0 [hbm:s6], $0xF7A  }
0x23: {  	s9 =	sor.u32 $0xD0000000, s2;
	s6 =	simm.s32 $0x108;
	_ =	swait.ge @!p0 [sflag:s8], $0x0  }
0x24: {  	s3 =	sadd.s32 $0x88, s3;
	s6 =	simm.s32 @!p1 $0x1082;
	[sflag:s4] =	ssyncset.s32 $0xFFFFF086  }
0x25: {  	[simem:s6], [sflag:s4] =	dma.local [hbm:s3], $0xF7A  }
0x26: {  	[smem:$0x3F98] =	sst s1;
	(tag) =	ssettag s2;
	_ =	strace s9  }
0x27: {  	s1 =	sld [smem:$0x3FA8]  }
0x28: {  	s2 =	sld [smem:$0x3FA9]  }
0x29: {  	s4 =	sld [smem:$0x3FAB]  }
0x2a: {  	p0 =	seq.s32 s5, $0x0;
	s5 =	sld [smem:$0x3FAC]  }
0x2b: {  	s6 =	sld [smem:$0x3FAD]  }
0x2c: {  	s7 =	sld [smem:$0x3FAE]  }
0x2d: {  	s3 =	simm.s32 $0x108;
	s8 =	sld [smem:$0x3FAF]  }
0x2e: {  	s3 =	simm.s32 @!p0 $0x1082;
	s9 =	sld [smem:$0x3FB0]  }
0x2f: {  	lr =	sadd.s32 s0, s3;
	s0 =	sld [smem:$0x3FA7]  }
0x30: {  	s3 =	sld [smem:$0x3FAA]  }
0x31: {  	[smem:$0x3FB3] =	sst s10  }
0x32: {  	s10 =	sld [smem:$0x3FB1];
	_ =	sdelay $0x3  }
0x33: {  	p0 =	seq.s32 s10, $0x1;
	s10 =	sld [smem:$0x3FB3];
	_ =	sdelay $0x3  }
0x34: {  	[smem:$0x3FB3] =	sst s10  }
0x35: {  	s10 =	sld [smem:$0x3FB2];
	_ =	sdelay $0x3  }
0x36: {  	p1 =	seq.s32 s10, $0x1;
	s10 =	sld [smem:$0x3FB3];
	_ =	sdelay $0x3  }
0x37: {  	[smem:$0x3FB3] =	sst s10  }
0x38: {  	s10 =	sld [smem:$0x3FB4]  }
0x39: {  	_ = 	snop;
	(pc) =	sbr.ind lr, $3  }
0x3a: {  	_ = 	snop  }
0x3b: {  	_ = 	snop  }
0x3c: {  	p2 =	seq.s32 s10, $0x1;
	s10 =	sld [smem:$0x3FB3]  }
0x3d: {  	_ =	shalt  }
0x3e: {  	_ =	shalt  }
0x3f: {  	_ =	shalt  }
0x40: {  	_ =	shalt  }
0x41: {  	_ =	shalt  }
0x42: {  	_ =	shalt  }
0x43: {  	_ =	shalt  }
0x44: {  	_ =	shalt  }
0x45: {  	_ =	shalt  }
0x46: {  	_ =	shalt  }
0x47: {  	_ =	shalt  }
0x48: {  	_ =	shalt  }
0x49: {  	_ =	shalt  }
0x4a: {  	_ =	shalt  }
0x4b: {  	_ =	shalt  }
0x4c: {  	_ =	shalt  }
0x4d: {  	_ =	shalt  }
0x4e: {  	_ =	shalt  }
0x4f: {  	_ =	shalt  }
0x50: {  	_ =	shalt  }
0x51: {  	_ =	shalt  }
0x52: {  	_ =	shalt  }
0x53: {  	_ =	shalt  }
0x54: {  	_ =	shalt  }
0x55: {  	_ =	shalt  }
0x56: {  	_ =	shalt  }
0x57: {  	_ =	shalt  }
0x58: {  	_ =	shalt  }
0x59: {  	_ =	shalt  }
0x5a: {  	_ =	shalt  }
0x5b: {  	_ =	shalt  }
0x5c: {  	_ =	shalt  }
0x5d: {  	_ =	shalt  }
0x5e: {  	_ =	shalt  }
0x5f: {  	_ =	shalt  }
0x60: {  	_ =	shalt  }
0x61: {  	_ =	shalt  }
0x62: {  	_ =	shalt  }
0x63: {  	_ =	shalt  }
0x64: {  	_ =	shalt  }
0x65: {  	_ =	shalt  }
0x66: {  	_ =	shalt  }
0x67: {  	_ =	shalt  }
0x68: {  	_ =	shalt  }
0x69: {  	_ =	shalt  }
0x6a: {  	_ =	shalt  }
0x6b: {  	_ =	shalt  }
0x6c: {  	_ =	shalt  }
0x6d: {  	_ =	shalt  }
0x6e: {  	_ =	shalt  }
0x6f: {  	_ =	shalt  }
0x70: {  	_ =	shalt  }
0x71: {  	_ =	shalt  }
0x72: {  	_ =	shalt  }
0x73: {  	_ =	shalt  }
0x74: {  	_ =	shalt  }
0x75: {  	_ =	shalt  }
0x76: {  	_ =	shalt  }
0x77: {  	_ =	shalt  }
0x78: {  	_ =	shalt  }
0x79: {  	_ =	shalt  }
0x7a: {  	_ =	shalt  }
0x7b: {  	_ =	shalt  }
0x7c: {  	_ =	shalt  }
0x7d: {  	_ =	shalt  }
0x7e: {  	_ =	shalt  }
0x7f: {  	_ =	shalt  }
0x80: {  	_ =	shalt  }
0x81: {  	_ =	shalt  }
0x82: {  	_ =	shalt  }
0x83: {  	_ =	shalt  }
0x84: {  	_ =	shalt  }
0x85: {  	_ =	shalt  }
0x86: {  	_ =	shalt  }
0x87: {  	_ =	shalt  }
.Lfunc_end0:
.L_simem_size_0:
called_computation_lowered:
.L_overlay_start_0:
0x88: {  	s2 =	sld [smem:$0x3FD9]  }
0x89: {  	s3 =	sld [smem:$0x3FFE];
	_ =	sdelay $0x1  }
0x8a: {  	s1 =	srdreg.scid  }
0x8b: {  	s0 =	sand.u32 $0x1, s1  }
0x8c: {  	s17 =	sshll.u32 s0, $0xA;
	s2 =	sadd.s32 s3, s2  }
0x8d: {  	s2 =	sadd.s32 s2, s17  }
0x8e: {  	[smem:$0x3FBF] =	sst s2  }
0x8f: {  	_ = 	snop  }
0x90: {  	s2 =	sld [smem:$0x3FC7]  }
0x91: {  	s18 =	sld [smem:$0x3FD0];
	(tm) =	ssettm $0x1  }
0x92: {  	s4 =	sld [smem:$0x3FFB];
	_ =	sdelay $0x3  }
0x93: {  	_ =	strace s4  }
0x94: {  	s4 =	sld [smem:$0x3FFC];
	_ =	sdelay $0x3  }
0x95: {  	_ =	strace s4  }
0x96: {  	s4 =	sld [smem:$0x3FFD];
	_ =	sdelay $0x3  }
0x97: {  	_ =	strace s4  }
0x98: {  	_ =	strace $0x8FFFFFFF  }
0x99: {  	s19 =	sld [smem:$0x3FDB];
	_ =	sdelay $0x1  }
0x9a: {  	s5 =	simm.s32 $_scs_section_size  }
0x9b: {  	s6 =	simm.s32 $_size__tile_overlayer_lowered;
	s7 =	simm.s32 $_tile_overlayer_lowered  }
0x9c: {  	s22 =	simm.s32 $0x1BFF;
	s21 =	sshll.u32 s7, $0x1;
	s4 =	sadd.s32 s5, s19  }
0x9d: {  	s8 =	simm.s32 $0x0;
	s20 =	sshll.u32 s6, $0x1;
	s6 =	sadd.s32 s21, s4  }
0x9e: {  	[timem:s8], [sflag:s22] =	dma.local [hbm:s6], s20  }
0x9f: {  	_ =	swait.ge [sflag:s22], s20  }
0xa0: {  	s5 =	ssub.s32 $0x0, s20;
	[sflag:s22] =	ssyncset.done $0x0  }
0xa1: {  	[sflag:s22] =	ssyncadd.s32 s5;
	_ =	sdelay $0x1  }
0xa2: {  	s23 =	simm.s32 $0x1B8B  }
0xa3: {  	_ =	swait.ge [sflag:s23], $0x1  }
0xa4: {  	[sflag:s23] =	ssyncset.done $0x0  }
0xa5: {  	s25 =	simm.s32 $0x1B8E;
	s24 =	sld [smem:$0x3FFE];
	[sflag:s23] =	ssyncadd.s32 $0xFFFFFFFF  }
0xa6: {  	s26 =	simm.s32 $execute0_lowered;
	[smem:$0x3FD2] =	sst s25  }
0xa7: {  	s6 =	sshll.u32 s26, $0x1;
	_ =	strace $0x80000046;
	[dreg:$0x1] =	wrdreg $0xFFFFFFFF  }
0xa8: {  	s28 =	simm.s32 $_size_execute0_lowered;
	s4 =	sadd.s32 s4, s6;
	[dreg:$0x0] =	wrdreg $0x0  }
0xa9: {  	s6 =	sshll.u32 s28, $0x1;
	[dreg:$0x2] =	wrdreg s4  }
0xaa: {  	[dreg:$0x3] =	wrdreg s6  }
0xab: {  	[dreg:$0x4] =	wrdreg $0xC0  }
0xac: {  	_ =	task [dreg:s8], $0x5FFFF  }
0xad: {  	[dreg:$0x1] =	wrdreg $0xFFFFFFFF  }
0xae: {  	[dreg:$0x0] =	wrdreg $0x60  }
0xaf: {  	[dreg:$0x2] =	wrdreg s18  }
0xb0: {  	[dreg:$0x3] =	wrdreg s2  }
0xb1: {  	[dreg:$0x4] =	wrdreg s24  }
0xb2: {  	[dreg:$0x5] =	wrdreg $0x98000  }
0xb3: {  	[dreg:$0x6] =	wrdreg $0x9  }
0xb4: {  	_ =	task.clear_ibuf [dreg:s8], $0x7FFFF;
	_ =	strace $0x90000046  }
0xb5: {  	s29 =	simm.s32 $0x9;
	_ =	strace $0x80000048  }
0xb6: {  	_ =	swait.ge [sflag:s29], $0x1  }
0xb7: {  	[sflag:s29] =	ssyncadd.s32 $0xFFFFFFFF  }
0xb8: {  	_ =	strace $0x90000048  }
0xb9: {  	_ =	sfence  }
0xba: {  	s30 =	sld [smem:$0x0];
	_ =	sdelay $0x2  }
0xbb: {  	s31 =	sshll.u32 s1, $0xD;
	s1 =	sshrl.u32 s1, $0x2  }
0xbc: {  	s3 =	sand.u32 $0x4000, s31;
	s1 =	sadd.s32 s1, s30  }
0xbd: {  	s0 =	sor.u32 s3, s0;
	s1 =	sshll.u32 s1, $0x11  }
0xbe: {  	s0 =	sor.u32 s1, s0  }
0xbf: {  	s0 =	sadd.s32 $0x8F2B, s0  }
0xc0: {  	[sflag:s0] =	ssyncadd.remote.s32 $0x1  }
0xc1: {  	_ =	sfence.sel $0xFFFF  }
0xc2: {  	[dreg:$0x0] =	wrdreg $0xFFFFFFFF;
	(pc) =	sbr.abs _section_cstart, $3  }
0xc3: {  	[dreg:$0x1] =	wrdreg $0xFFFFFFFF  }
0xc4: {  	_ =	task.clear_ibuf [dreg:s8], $0x2FFFF;
	_ =	strace $0x9FFFFFFF  }
0xc5: {  	(tm) =	ssettm $0x7FFFFFFF  }
tec
execute0_lowered:
.L_overlay_start_1:
0x0: {  	(tag) =	ssettag $0x1  }
0x1: {  	s4 =	rddreg [dreg:$0x0]  }
0x2: {  	s7 =	rddreg [dreg:$0x1]  }
0x3: {  	s5 =	rddreg [dreg:$0x2]  }
0x4: {  	s1 =	rddreg [dreg:$0x3]  }
0x5: {  	s2 =	srdreg.scid;
	s0 =	rddreg [dreg:$0x4]  }
0x6: {  	s10 =	stileid.u32;
	s16 =	simm.s32 $0x6600;
	s17 =	simm.s32 $0x0  }
0x7: {  	s6 =	sand.u32 $0x1, s2;
	s2 =	simm.s32 $0x0;
	s12 =	smul.u32 $0x4E000, s10  }
0x8: {  	s13 =	sadd.s32 $0x3800, s5;
	s24 =	sshll.u32 s10, $0x6;
	s14 =	smul.u32 $0x13800, s10  }
0x9: {  	s30 =	smul.u32 $0x27100, s10;
	p0 =	sne.s32 s10, $0x0;
	s3 =	sshll.u32 s6, $0x4  }
0xa: {  	[smem:$0x7FF] =	sst s2;
	s8 =	ssub.s32 $0x2, s6;
	s22 =	smul.u32 $0x138800, s6  }
0xb: {  	s26 =	smul.u32 $0x271000, s6;
	s3 =	sor.u32 s10, s3;
	_ =	strace $0x80000047  }
0xc: {  	s11 =	sshrl.u32 s8, $0x1;
	s23 =	sshrl.u32 s12, $0x2;
	s12 =	sadd.s32 $0x138000, s1  }
0xd: {  	s9 =	smul.u32 $0x680, s3;
	s3 =	sadd.s32 $0x1000, s5;
	s8 =	ssub.s32 s8, s11  }
0xe: {  	s15 =	sadd.s32 s23, s1;
	s5 =	sor.u32 $0x1C02, s24;
	s25 =	sadd.s32 s14, s22  }
0xf: {  	s29 =	sshrl.u32 s22, $0x3;
	s31 =	sadd.s32 s26, s7;
	s11 =	simm.s32 $0x2  }
0x10: {  	s12 =	sshrl.u32 @!p0 s12, $0x3;
	s14 =	simm.s32 $0x3400;
	s28 =	sshrl.u32 s25, $0x3  }
0x11: {  	s8 =	smax.u32 s8, $0x1;
	s10 =	sshrl.u32 s15, $0x3;
	s15 =	simm.s32 $0x64  }
0x12: {  	s4 =	sadd.s32 s4, s9;
	s6 =	sadd.s32 s13, s28;
	s9 =	sadd.s32 s13, s29  }
0x13: {  	s13 =	simm.s32 $0x1;
	s7 =	sadd.s32 $0x27000, s9;
	s9 =	sadd.s32 s30, s31  }
.LBB2_1:
0x14: {  	[tilespmem:s2], [sflag:$0x1] =	stream.linear.gather [hbm4b:s4+s2], $0x3200, $0x38;
	[tilespmem:$0x1D080] =	vst v63  }
0x15: {  	[spmem:s10], [sflag:s5] =	dma.local [hbm:s3], $0x2700  }
0x16: {  	_ =	swait.ge [sflag:s11], $0x2700  }
0x17: {  	[sflag:s11] =	ssyncset.done $0x0  }
0x18: {  	s18 =	simm.s32 @!p0 $0x2;
	[sflag:s11] =	ssyncadd.s32 $0xFFFFD900  }
0x19: {  	[spmem:s12], [sflag:s5] =	dma.local @!p0 [hbm:s3], $0x100  }
0x1a: {  	_ =	swait.ge @!p0 [sflag:s18], $0x100  }
0x1b: {  	[sflag:s18] =	ssyncset.done @!p0 $0x0  }
0x1c: {  	[sflag:s18] =	ssyncadd.s32 @!p0 $0xFFFFFF00  }
0x1d: {  	_ =	swait.ge [sflag:s13], $0x3200  }
0x1e: {  	[sflag:s13] =	ssyncset.done $0x0  }
0x1f: {  	[sflag:s13] =	ssyncadd.s32 $0xFFFFCE00  }
0x20: {  	s29 =	sadd.s32 $0x0, s9;
	[bflag:$0x0] =	sbarrier.arrive $0xFFFF  }
0x21: {  	[tilespmem:s14], [sflag:$0x2] =	stream.linear.gather [hbm4b:s29+s2], $0x6400, $0x38;
	[tilespmem:$0x1D080] =	vst v63  }
0x22: {  	_ =	swait.ge [sflag:s11], $0x6400  }
0x23: {  	[sflag:s11] =	ssyncset.done $0x0  }
0x24: {  	s30 =	simm.s32 $0x0;
	[sflag:s11] =	ssyncadd.s32 $0xFFFF9C00  }
0x25: {  	[spmem:s1] =	stream.indirect.scatter.add.f32 [tilespmem:s14], [sflag:$0x2], $0x80, s30, s15, $0xb8;
	[tilespmem:$0x1D080] =	vst v63  }
0x26: {  	_ =	swait.ge [sflag:s11], $0x3200  }
0x27: {  	[sflag:s11] =	ssyncset.done $0x0  }
0x28: {  	s31 =	simm.s32 $0x80;
	[sflag:s11] =	ssyncadd.s32 $0xFFFFCE00  }
0x29: {  	[spmem:s1] =	stream.indirect.scatter.add.f32 [tilespmem:s16], [sflag:$0x2], $0x80, s31, s15, $0xb8;
	[tilespmem:$0x1D080] =	vst v63  }
0x2a: {  	s19 =	simm.s32 $0xC80;
	_ =	swait.ge [sflag:s11], $0x3200  }
0x2b: {  	s20 =	simm.s32 $0x1900;
	s18 =	simm.s32 $0x180;
	[sflag:s11] =	ssyncset.done $0x0  }
.LBB2_2:
0x2c: {  	s21 =	sadd.s32 s19, s9  }
0x2d: {  	[sflag:s11] =	ssyncadd.s32 $0xFFFFCE00;
	s19 =	smov.u32 s20;
	s22 =	sadd.s32 $0xC80, s20  }
0x2e: {  	[tilespmem:s14], [sflag:$0x2] =	stream.linear.gather [hbm4b:s21+s2], $0x6400, $0x38;
	[tilespmem:$0x1D080] =	vst v63  }
0x2f: {  	p1 =	sne.s32 s20, $0x26480;
	_ =	swait.ge [sflag:s11], $0x6400  }
0x30: {  	[sflag:s11] =	ssyncset.done $0x0  }
0x31: {  	s20 =	sadd.s32 $0xFFFFFF80, s18;
	[sflag:s11] =	ssyncadd.s32 $0xFFFF9C00  }
0x32: {  	[spmem:s1] =	stream.indirect.scatter.add.f32 [tilespmem:s14], [sflag:$0x2], $0x80, s20, s15, $0xb8;
	[tilespmem:$0x1D080] =	vst v63  }
0x33: {  	_ =	swait.ge [sflag:s11], $0x3200  }
.Ltmp0:
0x34: {  	[sflag:s11] =	ssyncset.done $0x0;
	(pc) =	sbr.rel @p1 .LBB2_2-.Ltmp0, $4  }
0x35: {  	[sflag:s11] =	ssyncadd.s32 $0xFFFFCE00  }
0x36: {  	[spmem:s1] =	stream.indirect.scatter.add.f32 [tilespmem:s16], [sflag:$0x2], $0x80, s18, s15, $0xb8;
	[tilespmem:$0x1D080] =	vst v63  }
0x37: {  	_ =	swait.ge [sflag:s11], $0x3200  }
0x38: {  	s20 =	smov.u32 s22;
	s18 =	sadd.s32 $0x100, s18;
	[sflag:s11] =	ssyncset.done $0x0  }
0x39: {  	s19 =	sadd.s32 s19, s9;
	[sflag:s11] =	ssyncadd.s32 $0xFFFFCE00  }
0x3a: {  	[tilespmem:s14], [sflag:$0x2] =	stream.linear.gather [hbm4b:s19+s2], $0x6400, $0x38;
	[tilespmem:$0x1D080] =	vst v63  }
0x3b: {  	_ =	swait.ge [sflag:s11], $0x6400  }
0x3c: {  	[sflag:s11] =	ssyncset.done $0x0  }
0x3d: {  	s31 =	sadd.s32 $0xFFFFFF80, s18;
	[sflag:s11] =	ssyncadd.s32 $0xFFFF9C00  }
0x3e: {  	[spmem:s1] =	stream.indirect.scatter.add.f32 [tilespmem:s14], [sflag:$0x2], $0x80, s31, s15, $0xb8;
	[tilespmem:$0x1D080] =	vst v63  }
0x3f: {  	_ =	swait.ge [sflag:s11], $0x3200  }
0x40: {  	[sflag:s11] =	ssyncset.done $0x0  }
0x41: {  	[sflag:s11] =	ssyncadd.s32 $0xFFFFCE00  }
0x42: {  	[spmem:s1] =	stream.indirect.scatter.add.f32 [tilespmem:s16], [sflag:$0x2], $0x80, s18, s15, $0xb8;
	[tilespmem:$0x1D080] =	vst v63  }
0x43: {  	_ =	swait.ge [sflag:s11], $0x3200  }
0x44: {  	[sflag:s11] =	ssyncset.done $0x0  }
0x45: {  	[sflag:s11] =	ssyncadd.s32 $0xFFFFCE00  }
0x46: {  	[bflag:$0x0] =	sbarrier.arrive $0xFFFF  }
0x47: {  	[hbm:s6], [sflag:s5] =	dma.local [spmem:s10], $0x2700  }
0x48: {  	s17 =	sadd.s32 $0x1, s17;
	_ =	swait.ge [sflag:s11], $0x2700  }
0x49: {  	p1 =	sne.s32 s17, s8;
	[sflag:s11] =	ssyncset.done $0x0  }
.Ltmp1:
0x4a: {  	s18 =	simm.s32 @!p0 $0x2;
	[sflag:s11] =	ssyncadd.s32 $0xFFFFD900;
	(pc) =	sbr.rel @p1 .LBB2_1-.Ltmp1, $4  }
0x4b: {  	[hbm:s7], [sflag:s5] =	dma.local @!p0 [spmem:s12], $0x100  }
0x4c: {  	_ =	swait.ge @!p0 [sflag:s18], $0x100  }
0x4d: {  	[sflag:s18] =	ssyncset.done @!p0 $0x0  }
0x4e: {  	[sflag:s18] =	ssyncadd.s32 @!p0 $0xFFFFFF00  }
0x4f: {  	_ =	sfence.sel $0x180000  }
0x50: {  	[bflag:$0x0] =	sbarrier.arrive $0xFFFF  }
0x51: {  	_ =	strace $0x90000047  }
0x52: {  	s0 =	sadd.s32 @!p0 $0x100000, s0;
	[bflag:$0x2] =	sbarrier.arrive $0xFFFF  }
0x53: {  	[sflag:s0] =	ssyncadd.tile.s32 @!p0 $0x1;
	_ =	shalt  }
.Lfunc_end2:
_tile_overlayer_lowered:
.L_overlay_start_2:
0x54: {  	(tag) =	ssettag $0x2  }
0x55: {  	s0 =	rddreg [dreg:$0x0];
	s2 =	stileid.u32  }
0x56: {  	s1 =	rddreg [dreg:$0x1];
	p0 =	sne.s32 s2, $0x0  }
0x57: {  	s3 =	rddreg [dreg:$0x2];
	[bflag:$0x3] =	sbarrier.arrive $0xFFFF;
	s2 =	simm.s32 @!p0 $0x1C02  }
0x58: {  	[timem:s3], [sflag:s2] =	dma.local @!p0 [hbm:s0], s1  }
0x59: {  	s0 =	simm.s32 @!p0 $0x2  }
0x5a: {  	_ =	swait.ge @!p0 [sflag:s0], s1  }
0x5b: {  	s1 =	ssub.s32 @!p0 $0x0, s1;
	[sflag:s0] =	ssyncset.done @!p0 $0x0  }
0x5c: {  	[sflag:s0] =	ssyncadd.s32 @!p0 s1  }
0x5d: {  	[bflag:$0x3] =	sbarrier.arrive $0xFFFF  }
0x5e: {  	_ =	shalt  }

</sc_bundles>
